<compile_context>
chip_gen: v7x
topology: tpu7x:2x2x1
jax: 0.10.2.dev20260603
libtpu: 0.0.44.dev20260713+nightly
codegen_flags: <defaults>
</compile_context>

<pallas_src>
import functools

import jax
import jax.numpy as jnp
from jax import lax
from jax.experimental import pallas as pl
from jax.experimental.pallas import tpu as pltpu
from jax.experimental.pallas import tpu_sc as plsc

_ROWS, _NPTS = 48, 4096
_CHUNKS = _NPTS // 16


def _make_sc_kernel():
    info = plsc.get_sparse_core_info()
    nc, ns = info.num_cores, info.num_subcores
    nw = nc * ns
    rows_per_w = (_ROWS + nw - 1) // nw
    mesh = plsc.VectorSubcoreMesh(core_axis_name="c", subcore_axis_name="s")

    @functools.partial(
        pl.kernel,
        mesh=mesh,
        out_type=jax.ShapeDtypeStruct((_ROWS, _NPTS), jnp.float32),
        scratch_types=[
            pltpu.VMEM((_NPTS,), jnp.float32),
            pltpu.VMEM((_NPTS,), jnp.float32),
        ],
    )
    def sc_voxel(x_hbm, o_hbm, xv, ov):
        wid = lax.axis_index("s") * nc + lax.axis_index("c")
        for k in range(rows_per_w):
            row = wid + k * nw

            @pl.when(row < _ROWS)
            def _():
                pltpu.sync_copy(x_hbm.at[row], xv)

                def red_body(i, carry):
                    mn, mx = carry
                    v = xv[pl.ds(i * 16, 16)]
                    return jnp.minimum(mn, v), jnp.maximum(mx, v)

                mn16, mx16 = lax.fori_loop(
                    0, _CHUNKS, red_body,
                    (jnp.full((16,), jnp.inf, jnp.float32),
                     jnp.full((16,), -jnp.inf, jnp.float32)))
                dn = lax.GatherDimensionNumbers(
                    offset_dims=(), collapsed_slice_dims=(0,),
                    start_index_map=(0,))
                gather = functools.partial(
                    lax.gather, dimension_numbers=dn, slice_sizes=(1,),
                    mode=lax.GatherScatterMode.PROMISE_IN_BOUNDS)
                idx = lax.iota(jnp.int32, 16)
                mn_b, mx_b = mn16, mx16
                for shift in (8, 4, 2, 1):
                    perm = (idx ^ shift)[:, None]
                    mn_b = jnp.minimum(mn_b, gather(mn_b, perm))
                    mx_b = jnp.maximum(mx_b, gather(mx_b, perm))
                bw_b = (mx_b - mn_b) / 40.0

                def emit_body(i, carry):
                    v = xv[pl.ds(i * 16, 16)]
                    q = (v - mn_b) / bw_b
                    ov[pl.ds(i * 16, 16)] = q.astype(jnp.int32).astype(jnp.float32)
                    return carry

                lax.fori_loop(0, _CHUNKS, emit_body, 0)
                pltpu.sync_copy(ov, o_hbm.at[row])

    return sc_voxel


_sc_voxel = _make_sc_kernel()


def kernel(point_cloud):
    b, n, c = point_cloud.shape
    xt = jnp.transpose(point_cloud, (2, 0, 1)).reshape(_ROWS, _NPTS)
    out = _sc_voxel(xt)
    return jnp.transpose(out.reshape(c, b, n), (1, 2, 0))

# --- scband reference (transcript-rebuilt; emitter-appended) ---
"""Pipeline reference for scband-voxel-module-68393059221508 (READ-ONLY COPY).

The authoritative reference and input builder live on the scoring server;
editing this copy changes nothing except your own understanding.
"""

import jax, jax.numpy as jnp
import numpy as np


def setup_inputs(seed: int = 0) -> dict:
    key = jax.random.key(seed)
    point_cloud = jax.random.normal(key, (16, 4096, 3), dtype=jnp.float32)
    return {"point_cloud": point_cloud}


def reference(point_cloud):
    # Faithful translation of VoxelModule.forward:
    # per-batch, per-coordinate min/max over the points dimension (dim=1),
    # then voxel index = trunc((x - min) / ((max - min) / 40.0)).
    # Values are non-negative so trunc == floor. The original writes these
    # float-valued indices into a [B, N, 3] tensor and returns it.
    xyz_max = jnp.max(point_cloud, axis=1)  # [B, 3]
    xyz_min = jnp.min(point_cloud, axis=1)  # [B, 3]
    bin_width = (xyz_max - xyz_min) / 40.0  # [B, 3]
    voxels = jnp.floor((point_cloud - xyz_min[:, None, :]) / bin_width[:, None, :])
    return voxels.astype(jnp.float32)

if __name__ == "__main__":
    import jax
    _d = setup_inputs()
    print(jax.jit(kernel)(*tuple(_d.values())))

</pallas_src>

<mosaic_0001>
#map = affine_map<(d0, d1) -> (0, 0)>
module attributes {stable_mosaic.version = 14 : i64} {
  func.func @sc_voxel(%arg0: i32, %arg1: i32, %arg2: memref<48x4096xf32, #tpu.memory_space<hbm>>, %arg3: memref<48x4096xf32, #tpu.memory_space<hbm>>, %arg4: memref<4096xf32, #tpu.memory_space<vmem>>, %arg5: memref<4096xf32, #tpu.memory_space<vmem>>) attributes {dimension_semantics = [#tpu.dimension_semantics<core_parallel>, #tpu.dimension_semantics<subcore_parallel>], iteration_bounds = array<i64: 2, 16>, scalar_prefetch = 0 : i64, scratch_operands = 2 : i64, tpu.core_type = #tpu.core_type<sc_vector_subcore>, window_params = [{transform_indices = #map}, {transform_indices = #map}]} {
    %mul3A = arith.constant 2 : i32
    %mul3A_0 = arith.muli %arg1, %mul3A : i32
    %add3A = arith.addi %mul3A_0, %arg0 : i32
    %add3A_1 = arith.constant 0 : i32
    %add3A_2 = arith.addi %add3A, %add3A_1 : i32
    %lt3A = arith.constant 48 : i32
    %lt3A_3 = arith.cmpi slt, %add3A_2, %lt3A : i32
    %convert_element_type3A = arith.extui %lt3A_3 : i1 to i32
    %cond3A = arith.constant 0 : i32
    %cond3A_4 = arith.cmpi ne, %convert_element_type3A, %cond3A : i32
    scf.if %cond3A_4 {
      "tpu.region"() ({
        %run_scoped3A = tpu.sem_alloc : memref<!tpu.dma_semaphore, #tpu.memory_space<semaphore_mem>>
        %dma_start3A = arith.constant 0 : i32
        %dma_start3A_64 = tpu.memref_slice %arg2[%add3A_2, %dma_start3A] : memref<48x4096xf32, #tpu.memory_space<hbm>> -> memref<1x4096xf32, #tpu.memory_space<hbm>>
        %dma_start3A_65 = tpu.memref_squeeze %dma_start3A_64 : memref<1x4096xf32, #tpu.memory_space<hbm>> -> memref<4096xf32, #tpu.memory_space<hbm>>
        %dma_start3A_66 = arith.constant 0 : i32
        %dma_start3A_67 = tpu.memref_slice %arg2[%add3A_2, %dma_start3A_66] : memref<48x4096xf32, #tpu.memory_space<hbm>> -> memref<1x4096xf32, #tpu.memory_space<hbm>>
        %dma_start3A_68 = tpu.memref_squeeze %dma_start3A_67 : memref<1x4096xf32, #tpu.memory_space<hbm>> -> memref<4096xf32, #tpu.memory_space<hbm>>
        tpu.enqueue_dma source(%dma_start3A_68 : memref<4096xf32, #tpu.memory_space<hbm>>) target(%arg4 : memref<4096xf32, #tpu.memory_space<vmem>>) target_semaphore(%run_scoped3A : memref<!tpu.dma_semaphore, #tpu.memory_space<semaphore_mem>>)
        %dma_wait3A = arith.constant 0 : i32
        %dma_wait3A_69 = tpu.memref_slice %arg2[%add3A_2, %dma_wait3A] : memref<48x4096xf32, #tpu.memory_space<hbm>> -> memref<1x4096xf32, #tpu.memory_space<hbm>>
        %dma_wait3A_70 = tpu.memref_squeeze %dma_wait3A_69 : memref<1x4096xf32, #tpu.memory_space<hbm>> -> memref<4096xf32, #tpu.memory_space<hbm>>
        %dma_wait3A_71 = arith.constant 0 : i32
        %dma_wait3A_72 = tpu.memref_slice %arg2[%add3A_2, %dma_wait3A_71] : memref<48x4096xf32, #tpu.memory_space<hbm>> -> memref<1x4096xf32, #tpu.memory_space<hbm>>
        %dma_wait3A_73 = tpu.memref_squeeze %dma_wait3A_72 : memref<1x4096xf32, #tpu.memory_space<hbm>> -> memref<4096xf32, #tpu.memory_space<hbm>>
        tpu.wait_dma2 semaphore(%run_scoped3A : memref<!tpu.dma_semaphore, #tpu.memory_space<semaphore_mem>>) src(%dma_wait3A_73 : memref<4096xf32, #tpu.memory_space<hbm>>) dst(%arg4 : memref<4096xf32, #tpu.memory_space<vmem>>)
        tpu.yield
      }) : () -> ()
      %broadcast_in_dim3A = arith.constant 0x7F800000 : f32
      %broadcast_in_dim3A_12 = vector.broadcast %broadcast_in_dim3A : f32 to vector<16xf32>
      %broadcast_in_dim3A_13 = arith.constant 0xFF800000 : f32
      %broadcast_in_dim3A_14 = vector.broadcast %broadcast_in_dim3A_13 : f32 to vector<16xf32>
      %scan3A = arith.constant 0 : i32
      %scan3A_15 = arith.constant 256 : i32
      %scan3A_16 = arith.addi %scan3A, %scan3A_15 : i32
      %scan3A_17 = arith.constant 1 : i32
      %scan3A_18:2 = scf.for %scan3A_64 = %scan3A to %scan3A_16 step %scan3A_17 iter_args(%scan3A_65 = %broadcast_in_dim3A_12, %scan3A_66 = %broadcast_in_dim3A_14) -> (vector<16xf32>, vector<16xf32>)  : i32 {
        %mul3A_67 = arith.constant 16 : i32
        %mul3A_68 = arith.muli %scan3A_64, %mul3A_67 : i32
        %get3A = arith.index_cast %mul3A_68 : i32 to index
        %get3A_69 = tpu.vector_load %arg4[%get3A] {strides = array<i32>} : memref<4096xf32, #tpu.memory_space<vmem>>, vector<16xf32>,
        %get3A_70 = vector.shape_cast %get3A_69 : vector<16xf32> to vector<16xf32>
        %min3A_71 = arith.minimumf %scan3A_65, %get3A_70 : vector<16xf32>
        %max3A_72 = arith.maximumf %scan3A_66, %get3A_70 : vector<16xf32>
        scf.yield %min3A_71, %max3A_72 : vector<16xf32>, vector<16xf32>
      }
      %scan3A_19 = arith.constant 256 : i32
      %iota3A = tpu.iota {dimensions = array<i32: 0>} : vector<16xi32>
      %xor3A = arith.constant 8 : i32
      %xor3A_20 = vector.broadcast %xor3A : i32 to vector<16xi32>
      %xor3A_21 = arith.xori %iota3A, %xor3A_20 : vector<16xi32>
      %broadcast_in_dim3A_22 = vector.shape_cast %xor3A_21 : vector<16xi32> to vector<16x1xi32>
      %gather3A = vector.shape_cast %broadcast_in_dim3A_22 : vector<16x1xi32> to vector<16xi32>
      %gather3A_23 = tpu.dynamic_gather %scan3A_18#0[%gather3A] in [0] : vector<16xf32>, vector<16xi32> -> vector<16xf32>
      %min3A = arith.minimumf %scan3A_18#0, %gather3A_23 : vector<16xf32>
      %gather3A_24 = vector.shape_cast %broadcast_in_dim3A_22 : vector<16x1xi32> to vector<16xi32>
      %gather3A_25 = tpu.dynamic_gather %scan3A_18#1[%gather3A_24] in [0] : vector<16xf32>, vector<16xi32> -> vector<16xf32>
      %max3A = arith.maximumf %scan3A_18#1, %gather3A_25 : vector<16xf32>
      %xor3A_26 = arith.constant 4 : i32
      %xor3A_27 = vector.broadcast %xor3A_26 : i32 to vector<16xi32>
      %xor3A_28 = arith.xori %iota3A, %xor3A_27 : vector<16xi32>
      %broadcast_in_dim3A_29 = vector.shape_cast %xor3A_28 : vector<16xi32> to vector<16x1xi32>
      %gather3A_30 = vector.shape_cast %broadcast_in_dim3A_29 : vector<16x1xi32> to vector<16xi32>
      %gather3A_31 = tpu.dynamic_gather %min3A[%gather3A_30] in [0] : vector<16xf32>, vector<16xi32> -> vector<16xf32>
      %min3A_32 = arith.minimumf %min3A, %gather3A_31 : vector<16xf32>
      %gather3A_33 = vector.shape_cast %broadcast_in_dim3A_29 : vector<16x1xi32> to vector<16xi32>
      %gather3A_34 = tpu.dynamic_gather %max3A[%gather3A_33] in [0] : vector<16xf32>, vector<16xi32> -> vector<16xf32>
      %max3A_35 = arith.maximumf %max3A, %gather3A_34 : vector<16xf32>
      %xor3A_36 = arith.constant 2 : i32
      %xor3A_37 = vector.broadcast %xor3A_36 : i32 to vector<16xi32>
      %xor3A_38 = arith.xori %iota3A, %xor3A_37 : vector<16xi32>
      %broadcast_in_dim3A_39 = vector.shape_cast %xor3A_38 : vector<16xi32> to vector<16x1xi32>
      %gather3A_40 = vector.shape_cast %broadcast_in_dim3A_39 : vector<16x1xi32> to vector<16xi32>
      %gather3A_41 = tpu.dynamic_gather %min3A_32[%gather3A_40] in [0] : vector<16xf32>, vector<16xi32> -> vector<16xf32>
      %min3A_42 = arith.minimumf %min3A_32, %gather3A_41 : vector<16xf32>
      %gather3A_43 = vector.shape_cast %broadcast_in_dim3A_39 : vector<16x1xi32> to vector<16xi32>
      %gather3A_44 = tpu.dynamic_gather %max3A_35[%gather3A_43] in [0] : vector<16xf32>, vector<16xi32> -> vector<16xf32>
      %max3A_45 = arith.maximumf %max3A_35, %gather3A_44 : vector<16xf32>
      %xor3A_46 = arith.constant 1 : i32
      %xor3A_47 = vector.broadcast %xor3A_46 : i32 to vector<16xi32>
      %xor3A_48 = arith.xori %iota3A, %xor3A_47 : vector<16xi32>
      %broadcast_in_dim3A_49 = vector.shape_cast %xor3A_48 : vector<16xi32> to vector<16x1xi32>
      %gather3A_50 = vector.shape_cast %broadcast_in_dim3A_49 : vector<16x1xi32> to vector<16xi32>
      %gather3A_51 = tpu.dynamic_gather %min3A_42[%gather3A_50] in [0] : vector<16xf32>, vector<16xi32> -> vector<16xf32>
      %min3A_52 = arith.minimumf %min3A_42, %gather3A_51 : vector<16xf32>
      %gather3A_53 = vector.shape_cast %broadcast_in_dim3A_49 : vector<16x1xi32> to vector<16xi32>
      %gather3A_54 = tpu.dynamic_gather %max3A_45[%gather3A_53] in [0] : vector<16xf32>, vector<16xi32> -> vector<16xf32>
      %max3A_55 = arith.maximumf %max3A_45, %gather3A_54 : vector<16xf32>
      %sub3A = arith.subf %max3A_55, %min3A_52 : vector<16xf32>
      %div3A = arith.constant 4.000000e+01 : f32
      %div3A_56 = vector.broadcast %div3A : f32 to vector<16xf32>
      %div3A_57 = arith.divf %sub3A, %div3A_56 : vector<16xf32>
      %scan3A_58 = arith.constant 0 : i32
      %scan3A_59 = arith.constant 0 : i32
      %scan3A_60 = arith.constant 256 : i32
      %scan3A_61 = arith.addi %scan3A_59, %scan3A_60 : i32
      %scan3A_62 = arith.constant 1 : i32
      scf.for %scan3A_64 = %scan3A_59 to %scan3A_61 step %scan3A_62  : i32 {
        %mul3A_65 = arith.constant 16 : i32
        %mul3A_66 = arith.muli %scan3A_64, %mul3A_65 : i32
        %get3A = arith.index_cast %mul3A_66 : i32 to index
        %get3A_67 = tpu.vector_load %arg4[%get3A] {strides = array<i32>} : memref<4096xf32, #tpu.memory_space<vmem>>, vector<16xf32>,
        %get3A_68 = vector.shape_cast %get3A_67 : vector<16xf32> to vector<16xf32>
        %sub3A_69 = arith.subf %get3A_68, %min3A_52 : vector<16xf32>
        %div3A_70 = arith.divf %sub3A_69, %div3A_57 : vector<16xf32>
        %convert_element_type3A_71 = arith.fptosi %div3A_70 : vector<16xf32> to vector<16xi32>
        %convert_element_type3A_72 = arith.sitofp %convert_element_type3A_71 : vector<16xi32> to vector<16xf32>
        %mul3A_73 = arith.constant 16 : i32
        %mul3A_74 = arith.muli %scan3A_64, %mul3A_73 : i32
        %swap3A = arith.index_cast %mul3A_74 : i32 to index
        %swap3A_75 = tpu.vector_load %arg5[%swap3A] {strides = array<i32>} : memref<4096xf32, #tpu.memory_space<vmem>>, vector<16xf32>,
        %swap3A_76 = vector.shape_cast %swap3A_75 : vector<16xf32> to vector<16xf32>
        %swap3A_77 = vector.shape_cast %convert_element_type3A_72 : vector<16xf32> to vector<16xf32>
        tpu.vector_store %arg5[%swap3A], %swap3A_77 {strides = array<i32>} : memref<4096xf32, #tpu.memory_space<vmem>>, vector<16xf32>,
      }
      %scan3A_63 = arith.constant 256 : i32
      "tpu.region"() ({
        %run_scoped3A = tpu.sem_alloc : memref<!tpu.dma_semaphore, #tpu.memory_space<semaphore_mem>>
        %dma_start3A = arith.constant 0 : i32
        %dma_start3A_64 = tpu.memref_slice %arg3[%add3A_2, %dma_start3A] : memref<48x4096xf32, #tpu.memory_space<hbm>> -> memref<1x4096xf32, #tpu.memory_space<hbm>>
        %dma_start3A_65 = tpu.memref_squeeze %dma_start3A_64 : memref<1x4096xf32, #tpu.memory_space<hbm>> -> memref<4096xf32, #tpu.memory_space<hbm>>
        %dma_start3A_66 = arith.constant 0 : i32
        %dma_start3A_67 = tpu.memref_slice %arg3[%add3A_2, %dma_start3A_66] : memref<48x4096xf32, #tpu.memory_space<hbm>> -> memref<1x4096xf32, #tpu.memory_space<hbm>>
        %dma_start3A_68 = tpu.memref_squeeze %dma_start3A_67 : memref<1x4096xf32, #tpu.memory_space<hbm>> -> memref<4096xf32, #tpu.memory_space<hbm>>
        tpu.enqueue_dma source(%arg5 : memref<4096xf32, #tpu.memory_space<vmem>>) target(%dma_start3A_68 : memref<4096xf32, #tpu.memory_space<hbm>>) target_semaphore(%run_scoped3A : memref<!tpu.dma_semaphore, #tpu.memory_space<semaphore_mem>>)
        %dma_wait3A = arith.constant 0 : i32
        %dma_wait3A_69 = tpu.memref_slice %arg3[%add3A_2, %dma_wait3A] : memref<48x4096xf32, #tpu.memory_space<hbm>> -> memref<1x4096xf32, #tpu.memory_space<hbm>>
        %dma_wait3A_70 = tpu.memref_squeeze %dma_wait3A_69 : memref<1x4096xf32, #tpu.memory_space<hbm>> -> memref<4096xf32, #tpu.memory_space<hbm>>
        %dma_wait3A_71 = arith.constant 0 : i32
        %dma_wait3A_72 = tpu.memref_slice %arg3[%add3A_2, %dma_wait3A_71] : memref<48x4096xf32, #tpu.memory_space<hbm>> -> memref<1x4096xf32, #tpu.memory_space<hbm>>
        %dma_wait3A_73 = tpu.memref_squeeze %dma_wait3A_72 : memref<1x4096xf32, #tpu.memory_space<hbm>> -> memref<4096xf32, #tpu.memory_space<hbm>>
        tpu.wait_dma2 semaphore(%run_scoped3A : memref<!tpu.dma_semaphore, #tpu.memory_space<semaphore_mem>>) src(%arg5 : memref<4096xf32, #tpu.memory_space<vmem>>) dst(%dma_wait3A_73 : memref<4096xf32, #tpu.memory_space<hbm>>)
        tpu.yield
      }) : () -> ()
    } else {
    }
    %add3A_5 = arith.constant 32 : i32
    %add3A_6 = arith.addi %add3A, %add3A_5 : i32
    %lt3A_7 = arith.constant 48 : i32
    %lt3A_8 = arith.cmpi slt, %add3A_6, %lt3A_7 : i32
    %convert_element_type3A_9 = arith.extui %lt3A_8 : i1 to i32
    %cond3A_10 = arith.constant 0 : i32
    %cond3A_11 = arith.cmpi ne, %convert_element_type3A_9, %cond3A_10 : i32
    scf.if %cond3A_11 {
      "tpu.region"() ({
        %run_scoped3A = tpu.sem_alloc : memref<!tpu.dma_semaphore, #tpu.memory_space<semaphore_mem>>
        %dma_start3A = arith.constant 0 : i32
        %dma_start3A_64 = tpu.memref_slice %arg2[%add3A_6, %dma_start3A] : memref<48x4096xf32, #tpu.memory_space<hbm>> -> memref<1x4096xf32, #tpu.memory_space<hbm>>
        %dma_start3A_65 = tpu.memref_squeeze %dma_start3A_64 : memref<1x4096xf32, #tpu.memory_space<hbm>> -> memref<4096xf32, #tpu.memory_space<hbm>>
        %dma_start3A_66 = arith.constant 0 : i32
        %dma_start3A_67 = tpu.memref_slice %arg2[%add3A_6, %dma_start3A_66] : memref<48x4096xf32, #tpu.memory_space<hbm>> -> memref<1x4096xf32, #tpu.memory_space<hbm>>
        %dma_start3A_68 = tpu.memref_squeeze %dma_start3A_67 : memref<1x4096xf32, #tpu.memory_space<hbm>> -> memref<4096xf32, #tpu.memory_space<hbm>>
        tpu.enqueue_dma source(%dma_start3A_68 : memref<4096xf32, #tpu.memory_space<hbm>>) target(%arg4 : memref<4096xf32, #tpu.memory_space<vmem>>) target_semaphore(%run_scoped3A : memref<!tpu.dma_semaphore, #tpu.memory_space<semaphore_mem>>)
        %dma_wait3A = arith.constant 0 : i32
        %dma_wait3A_69 = tpu.memref_slice %arg2[%add3A_6, %dma_wait3A] : memref<48x4096xf32, #tpu.memory_space<hbm>> -> memref<1x4096xf32, #tpu.memory_space<hbm>>
        %dma_wait3A_70 = tpu.memref_squeeze %dma_wait3A_69 : memref<1x4096xf32, #tpu.memory_space<hbm>> -> memref<4096xf32, #tpu.memory_space<hbm>>
        %dma_wait3A_71 = arith.constant 0 : i32
        %dma_wait3A_72 = tpu.memref_slice %arg2[%add3A_6, %dma_wait3A_71] : memref<48x4096xf32, #tpu.memory_space<hbm>> -> memref<1x4096xf32, #tpu.memory_space<hbm>>
        %dma_wait3A_73 = tpu.memref_squeeze %dma_wait3A_72 : memref<1x4096xf32, #tpu.memory_space<hbm>> -> memref<4096xf32, #tpu.memory_space<hbm>>
        tpu.wait_dma2 semaphore(%run_scoped3A : memref<!tpu.dma_semaphore, #tpu.memory_space<semaphore_mem>>) src(%dma_wait3A_73 : memref<4096xf32, #tpu.memory_space<hbm>>) dst(%arg4 : memref<4096xf32, #tpu.memory_space<vmem>>)
        tpu.yield
      }) : () -> ()
      %broadcast_in_dim3A = arith.constant 0x7F800000 : f32
      %broadcast_in_dim3A_12 = vector.broadcast %broadcast_in_dim3A : f32 to vector<16xf32>
      %broadcast_in_dim3A_13 = arith.constant 0xFF800000 : f32
      %broadcast_in_dim3A_14 = vector.broadcast %broadcast_in_dim3A_13 : f32 to vector<16xf32>
      %scan3A = arith.constant 0 : i32
      %scan3A_15 = arith.constant 256 : i32
      %scan3A_16 = arith.addi %scan3A, %scan3A_15 : i32
      %scan3A_17 = arith.constant 1 : i32
      %scan3A_18:2 = scf.for %scan3A_64 = %scan3A to %scan3A_16 step %scan3A_17 iter_args(%scan3A_65 = %broadcast_in_dim3A_12, %scan3A_66 = %broadcast_in_dim3A_14) -> (vector<16xf32>, vector<16xf32>)  : i32 {
        %mul3A_67 = arith.constant 16 : i32
        %mul3A_68 = arith.muli %scan3A_64, %mul3A_67 : i32
        %get3A = arith.index_cast %mul3A_68 : i32 to index
        %get3A_69 = tpu.vector_load %arg4[%get3A] {strides = array<i32>} : memref<4096xf32, #tpu.memory_space<vmem>>, vector<16xf32>,
        %get3A_70 = vector.shape_cast %get3A_69 : vector<16xf32> to vector<16xf32>
        %min3A_71 = arith.minimumf %scan3A_65, %get3A_70 : vector<16xf32>
        %max3A_72 = arith.maximumf %scan3A_66, %get3A_70 : vector<16xf32>
        scf.yield %min3A_71, %max3A_72 : vector<16xf32>, vector<16xf32>
      }
      %scan3A_19 = arith.constant 256 : i32
      %iota3A = tpu.iota {dimensions = array<i32: 0>} : vector<16xi32>
      %xor3A = arith.constant 8 : i32
      %xor3A_20 = vector.broadcast %xor3A : i32 to vector<16xi32>
      %xor3A_21 = arith.xori %iota3A, %xor3A_20 : vector<16xi32>
      %broadcast_in_dim3A_22 = vector.shape_cast %xor3A_21 : vector<16xi32> to vector<16x1xi32>
      %gather3A = vector.shape_cast %broadcast_in_dim3A_22 : vector<16x1xi32> to vector<16xi32>
      %gather3A_23 = tpu.dynamic_gather %scan3A_18#0[%gather3A] in [0] : vector<16xf32>, vector<16xi32> -> vector<16xf32>
      %min3A = arith.minimumf %scan3A_18#0, %gather3A_23 : vector<16xf32>
      %gather3A_24 = vector.shape_cast %broadcast_in_dim3A_22 : vector<16x1xi32> to vector<16xi32>
      %gather3A_25 = tpu.dynamic_gather %scan3A_18#1[%gather3A_24] in [0] : vector<16xf32>, vector<16xi32> -> vector<16xf32>
      %max3A = arith.maximumf %scan3A_18#1, %gather3A_25 : vector<16xf32>
      %xor3A_26 = arith.constant 4 : i32
      %xor3A_27 = vector.broadcast %xor3A_26 : i32 to vector<16xi32>
      %xor3A_28 = arith.xori %iota3A, %xor3A_27 : vector<16xi32>
      %broadcast_in_dim3A_29 = vector.shape_cast %xor3A_28 : vector<16xi32> to vector<16x1xi32>
      %gather3A_30 = vector.shape_cast %broadcast_in_dim3A_29 : vector<16x1xi32> to vector<16xi32>
      %gather3A_31 = tpu.dynamic_gather %min3A[%gather3A_30] in [0] : vector<16xf32>, vector<16xi32> -> vector<16xf32>
      %min3A_32 = arith.minimumf %min3A, %gather3A_31 : vector<16xf32>
      %gather3A_33 = vector.shape_cast %broadcast_in_dim3A_29 : vector<16x1xi32> to vector<16xi32>
      %gather3A_34 = tpu.dynamic_gather %max3A[%gather3A_33] in [0] : vector<16xf32>, vector<16xi32> -> vector<16xf32>
      %max3A_35 = arith.maximumf %max3A, %gather3A_34 : vector<16xf32>
      %xor3A_36 = arith.constant 2 : i32
      %xor3A_37 = vector.broadcast %xor3A_36 : i32 to vector<16xi32>
      %xor3A_38 = arith.xori %iota3A, %xor3A_37 : vector<16xi32>
      %broadcast_in_dim3A_39 = vector.shape_cast %xor3A_38 : vector<16xi32> to vector<16x1xi32>
      %gather3A_40 = vector.shape_cast %broadcast_in_dim3A_39 : vector<16x1xi32> to vector<16xi32>
      %gather3A_41 = tpu.dynamic_gather %min3A_32[%gather3A_40] in [0] : vector<16xf32>, vector<16xi32> -> vector<16xf32>
      %min3A_42 = arith.minimumf %min3A_32, %gather3A_41 : vector<16xf32>
      %gather3A_43 = vector.shape_cast %broadcast_in_dim3A_39 : vector<16x1xi32> to vector<16xi32>
      %gather3A_44 = tpu.dynamic_gather %max3A_35[%gather3A_43] in [0] : vector<16xf32>, vector<16xi32> -> vector<16xf32>
      %max3A_45 = arith.maximumf %max3A_35, %gather3A_44 : vector<16xf32>
      %xor3A_46 = arith.constant 1 : i32
      %xor3A_47 = vector.broadcast %xor3A_46 : i32 to vector<16xi32>
      %xor3A_48 = arith.xori %iota3A, %xor3A_47 : vector<16xi32>
      %broadcast_in_dim3A_49 = vector.shape_cast %xor3A_48 : vector<16xi32> to vector<16x1xi32>
      %gather3A_50 = vector.shape_cast %broadcast_in_dim3A_49 : vector<16x1xi32> to vector<16xi32>
      %gather3A_51 = tpu.dynamic_gather %min3A_42[%gather3A_50] in [0] : vector<16xf32>, vector<16xi32> -> vector<16xf32>
      %min3A_52 = arith.minimumf %min3A_42, %gather3A_51 : vector<16xf32>
      %gather3A_53 = vector.shape_cast %broadcast_in_dim3A_49 : vector<16x1xi32> to vector<16xi32>
      %gather3A_54 = tpu.dynamic_gather %max3A_45[%gather3A_53] in [0] : vector<16xf32>, vector<16xi32> -> vector<16xf32>
      %max3A_55 = arith.maximumf %max3A_45, %gather3A_54 : vector<16xf32>
      %sub3A = arith.subf %max3A_55, %min3A_52 : vector<16xf32>
      %div3A = arith.constant 4.000000e+01 : f32
      %div3A_56 = vector.broadcast %div3A : f32 to vector<16xf32>
      %div3A_57 = arith.divf %sub3A, %div3A_56 : vector<16xf32>
      %scan3A_58 = arith.constant 0 : i32
      %scan3A_59 = arith.constant 0 : i32
      %scan3A_60 = arith.constant 256 : i32
      %scan3A_61 = arith.addi %scan3A_59, %scan3A_60 : i32
      %scan3A_62 = arith.constant 1 : i32
      scf.for %scan3A_64 = %scan3A_59 to %scan3A_61 step %scan3A_62  : i32 {
        %mul3A_65 = arith.constant 16 : i32
        %mul3A_66 = arith.muli %scan3A_64, %mul3A_65 : i32
        %get3A = arith.index_cast %mul3A_66 : i32 to index
        %get3A_67 = tpu.vector_load %arg4[%get3A] {strides = array<i32>} : memref<4096xf32, #tpu.memory_space<vmem>>, vector<16xf32>,
        %get3A_68 = vector.shape_cast %get3A_67 : vector<16xf32> to vector<16xf32>
        %sub3A_69 = arith.subf %get3A_68, %min3A_52 : vector<16xf32>
        %div3A_70 = arith.divf %sub3A_69, %div3A_57 : vector<16xf32>
        %convert_element_type3A_71 = arith.fptosi %div3A_70 : vector<16xf32> to vector<16xi32>
        %convert_element_type3A_72 = arith.sitofp %convert_element_type3A_71 : vector<16xi32> to vector<16xf32>
        %mul3A_73 = arith.constant 16 : i32
        %mul3A_74 = arith.muli %scan3A_64, %mul3A_73 : i32
        %swap3A = arith.index_cast %mul3A_74 : i32 to index
        %swap3A_75 = tpu.vector_load %arg5[%swap3A] {strides = array<i32>} : memref<4096xf32, #tpu.memory_space<vmem>>, vector<16xf32>,
        %swap3A_76 = vector.shape_cast %swap3A_75 : vector<16xf32> to vector<16xf32>
        %swap3A_77 = vector.shape_cast %convert_element_type3A_72 : vector<16xf32> to vector<16xf32>
        tpu.vector_store %arg5[%swap3A], %swap3A_77 {strides = array<i32>} : memref<4096xf32, #tpu.memory_space<vmem>>, vector<16xf32>,
      }
      %scan3A_63 = arith.constant 256 : i32
      "tpu.region"() ({
        %run_scoped3A = tpu.sem_alloc : memref<!tpu.dma_semaphore, #tpu.memory_space<semaphore_mem>>
        %dma_start3A = arith.constant 0 : i32
        %dma_start3A_64 = tpu.memref_slice %arg3[%add3A_6, %dma_start3A] : memref<48x4096xf32, #tpu.memory_space<hbm>> -> memref<1x4096xf32, #tpu.memory_space<hbm>>
        %dma_start3A_65 = tpu.memref_squeeze %dma_start3A_64 : memref<1x4096xf32, #tpu.memory_space<hbm>> -> memref<4096xf32, #tpu.memory_space<hbm>>
        %dma_start3A_66 = arith.constant 0 : i32
        %dma_start3A_67 = tpu.memref_slice %arg3[%add3A_6, %dma_start3A_66] : memref<48x4096xf32, #tpu.memory_space<hbm>> -> memref<1x4096xf32, #tpu.memory_space<hbm>>
        %dma_start3A_68 = tpu.memref_squeeze %dma_start3A_67 : memref<1x4096xf32, #tpu.memory_space<hbm>> -> memref<4096xf32, #tpu.memory_space<hbm>>
        tpu.enqueue_dma source(%arg5 : memref<4096xf32, #tpu.memory_space<vmem>>) target(%dma_start3A_68 : memref<4096xf32, #tpu.memory_space<hbm>>) target_semaphore(%run_scoped3A : memref<!tpu.dma_semaphore, #tpu.memory_space<semaphore_mem>>)
        %dma_wait3A = arith.constant 0 : i32
        %dma_wait3A_69 = tpu.memref_slice %arg3[%add3A_6, %dma_wait3A] : memref<48x4096xf32, #tpu.memory_space<hbm>> -> memref<1x4096xf32, #tpu.memory_space<hbm>>
        %dma_wait3A_70 = tpu.memref_squeeze %dma_wait3A_69 : memref<1x4096xf32, #tpu.memory_space<hbm>> -> memref<4096xf32, #tpu.memory_space<hbm>>
        %dma_wait3A_71 = arith.constant 0 : i32
        %dma_wait3A_72 = tpu.memref_slice %arg3[%add3A_6, %dma_wait3A_71] : memref<48x4096xf32, #tpu.memory_space<hbm>> -> memref<1x4096xf32, #tpu.memory_space<hbm>>
        %dma_wait3A_73 = tpu.memref_squeeze %dma_wait3A_72 : memref<1x4096xf32, #tpu.memory_space<hbm>> -> memref<4096xf32, #tpu.memory_space<hbm>>
        tpu.wait_dma2 semaphore(%run_scoped3A : memref<!tpu.dma_semaphore, #tpu.memory_space<semaphore_mem>>) src(%arg5 : memref<4096xf32, #tpu.memory_space<vmem>>) dst(%dma_wait3A_73 : memref<4096xf32, #tpu.memory_space<hbm>>)
        tpu.yield
      }) : () -> ()
    } else {
    }
    return
  }
}

</mosaic_0001>

<sc_bundles>
// kernel: kernel.3.cloned.1.call-start
scs
__scs_entry_jumppad:
0x0: {  	(pc) =	sbr.rel $0x88, $3  }
0x1: {  	(tag) =	ssettag $0x0;
	lr =	simm.s32 $0x1  }
0x2: {  	[smem:$0x3FA0] =	sst lr;
	_ =	strace $0xD0000000  }
0x3: {  	_ = 	snop  }
0x4: {  	_ = 	snop  }
0x5: {  	_ = 	snop  }
0x6: {  	_ = 	snop  }
0x7: {  	_ = 	snop  }
__scs_overlays_trampoline_lowered:
0x8: {  	[smem:$0x3FAF] =	sst s0  }
0x9: {  	[smem:$0x3FB0] =	sst s1  }
0xa: {  	[smem:$0x3FB1] =	sst s2  }
0xb: {  	[smem:$0x3FB2] =	sst s3  }
0xc: {  	[smem:$0x3FB3] =	sst s4  }
0xd: {  	[smem:$0x3FB4] =	sst s5  }
0xe: {  	[smem:$0x3FB5] =	sst s6  }
0xf: {  	[smem:$0x3FB6] =	sst s7  }
0x10: {  	[smem:$0x3FB7] =	sst s8  }
0x11: {  	[smem:$0x3FB8] =	sst s9;
	s0 =	simm.s32 @!p0 $0x0  }
0x12: {  	s1 =	sld [smem:$0x3F9E];
	s0 =	simm.s32 @p0 $0x1  }
0x13: {  	[smem:$0x3FB9] =	sst s0;
	s0 =	simm.s32 @!p1 $0x0  }
0x14: {  	s2 =	sld [smem:$0x3F9D];
	s0 =	simm.s32 @p1 $0x1  }
0x15: {  	[smem:$0x3FBA] =	sst s0;
	s0 =	simm.s32 @!p2 $0x0  }
0x16: {  	s3 =	sld [smem:$0x3FDB];
	s0 =	simm.s32 @p2 $0x1  }
0x17: {  	s4 =	simm.s32 $0x1BF5;
	[smem:$0x3FBC] =	sst s0  }
0x18: {  	s0 =	sld [smem:$0x3F9F];
	_ =	swait.ge [sflag:s4], $0x0  }
0x19: {  	s7 =	sld [smem:$0x3FA0]  }
0x1a: {  	s8 =	sadd.s32 $0xFFFFE003, lr  }
0x1b: {  	s9 =	sadd.s32 $0xFFFFFEF7, lr;
	s5 =	simm.s32 $0xFFFFFFFF;
	p2 =	slt.u32 s8, $0xFFFFF086  }
0x1c: {  	p1 =	slt.u32 s9, $0xF7A;
	s5 =	simm.s32 @!p2 $0x0  }
0x1d: {  	s5 =	simm.s32 @p1 $0x1;
	p0 =	seq.s32 s7, s2  }
0x1e: {  	s7 =	smul.u32 @!p0 $0xF7A, s2;
	p2 =	seq.s32 @!p0 s5, $0x0  }
0x1f: {  	s9 =	smul.u32 $0xF7A, s1;
	s8 =	simm.s32 @!p0 $0x1BF5;
	p2 =	por !p2, p0  }
0x20: {  	[sflag:s8] =	ssyncset.s32 @!p0 $0xFFFFF086;
	s6 =	sadd.s32 @!p0 s3, s7;
	s7 =	simm.s32 @!p0 $0x108  }
0x21: {  	s3 =	sadd.s32 s3, s9;
	s6 =	sadd.s32 @!p0 $0x88, s6;
	s7 =	simm.s32 @p2 $0x1082  }
0x22: {  	[simem:s7], [sflag:s8] =	dma.local @!p0 [hbm:s6], $0xF7A  }
0x23: {  	s9 =	sor.u32 $0xD0000000, s2;
	s6 =	simm.s32 $0x108;
	_ =	swait.ge @!p0 [sflag:s8], $0x0  }
0x24: {  	s3 =	sadd.s32 $0x88, s3;
	s6 =	simm.s32 @!p1 $0x1082;
	[sflag:s4] =	ssyncset.s32 $0xFFFFF086  }
0x25: {  	[simem:s6], [sflag:s4] =	dma.local [hbm:s3], $0xF7A  }
0x26: {  	[smem:$0x3FA0] =	sst s1;
	(tag) =	ssettag s2;
	_ =	strace s9  }
0x27: {  	s1 =	sld [smem:$0x3FB0]  }
0x28: {  	s2 =	sld [smem:$0x3FB1]  }
0x29: {  	s4 =	sld [smem:$0x3FB3]  }
0x2a: {  	p0 =	seq.s32 s5, $0x0;
	s5 =	sld [smem:$0x3FB4]  }
0x2b: {  	s6 =	sld [smem:$0x3FB5]  }
0x2c: {  	s7 =	sld [smem:$0x3FB6]  }
0x2d: {  	s3 =	simm.s32 $0x108;
	s8 =	sld [smem:$0x3FB7]  }
0x2e: {  	s3 =	simm.s32 @!p0 $0x1082;
	s9 =	sld [smem:$0x3FB8]  }
0x2f: {  	lr =	sadd.s32 s0, s3;
	s0 =	sld [smem:$0x3FAF]  }
0x30: {  	s3 =	sld [smem:$0x3FB2]  }
0x31: {  	[smem:$0x3FBB] =	sst s10  }
0x32: {  	s10 =	sld [smem:$0x3FB9];
	_ =	sdelay $0x3  }
0x33: {  	p0 =	seq.s32 s10, $0x1;
	s10 =	sld [smem:$0x3FBB];
	_ =	sdelay $0x3  }
0x34: {  	[smem:$0x3FBB] =	sst s10  }
0x35: {  	s10 =	sld [smem:$0x3FBA];
	_ =	sdelay $0x3  }
0x36: {  	p1 =	seq.s32 s10, $0x1;
	s10 =	sld [smem:$0x3FBB];
	_ =	sdelay $0x3  }
0x37: {  	[smem:$0x3FBB] =	sst s10  }
0x38: {  	s10 =	sld [smem:$0x3FBC]  }
0x39: {  	_ = 	snop;
	(pc) =	sbr.ind lr, $3  }
0x3a: {  	_ = 	snop  }
0x3b: {  	_ = 	snop  }
0x3c: {  	p2 =	seq.s32 s10, $0x1;
	s10 =	sld [smem:$0x3FBB]  }
0x3d: {  	_ =	shalt  }
0x3e: {  	_ =	shalt  }
0x3f: {  	_ =	shalt  }
0x40: {  	_ =	shalt  }
0x41: {  	_ =	shalt  }
0x42: {  	_ =	shalt  }
0x43: {  	_ =	shalt  }
0x44: {  	_ =	shalt  }
0x45: {  	_ =	shalt  }
0x46: {  	_ =	shalt  }
0x47: {  	_ =	shalt  }
0x48: {  	_ =	shalt  }
0x49: {  	_ =	shalt  }
0x4a: {  	_ =	shalt  }
0x4b: {  	_ =	shalt  }
0x4c: {  	_ =	shalt  }
0x4d: {  	_ =	shalt  }
0x4e: {  	_ =	shalt  }
0x4f: {  	_ =	shalt  }
0x50: {  	_ =	shalt  }
0x51: {  	_ =	shalt  }
0x52: {  	_ =	shalt  }
0x53: {  	_ =	shalt  }
0x54: {  	_ =	shalt  }
0x55: {  	_ =	shalt  }
0x56: {  	_ =	shalt  }
0x57: {  	_ =	shalt  }
0x58: {  	_ =	shalt  }
0x59: {  	_ =	shalt  }
0x5a: {  	_ =	shalt  }
0x5b: {  	_ =	shalt  }
0x5c: {  	_ =	shalt  }
0x5d: {  	_ =	shalt  }
0x5e: {  	_ =	shalt  }
0x5f: {  	_ =	shalt  }
0x60: {  	_ =	shalt  }
0x61: {  	_ =	shalt  }
0x62: {  	_ =	shalt  }
0x63: {  	_ =	shalt  }
0x64: {  	_ =	shalt  }
0x65: {  	_ =	shalt  }
0x66: {  	_ =	shalt  }
0x67: {  	_ =	shalt  }
0x68: {  	_ =	shalt  }
0x69: {  	_ =	shalt  }
0x6a: {  	_ =	shalt  }
0x6b: {  	_ =	shalt  }
0x6c: {  	_ =	shalt  }
0x6d: {  	_ =	shalt  }
0x6e: {  	_ =	shalt  }
0x6f: {  	_ =	shalt  }
0x70: {  	_ =	shalt  }
0x71: {  	_ =	shalt  }
0x72: {  	_ =	shalt  }
0x73: {  	_ =	shalt  }
0x74: {  	_ =	shalt  }
0x75: {  	_ =	shalt  }
0x76: {  	_ =	shalt  }
0x77: {  	_ =	shalt  }
0x78: {  	_ =	shalt  }
0x79: {  	_ =	shalt  }
0x7a: {  	_ =	shalt  }
0x7b: {  	_ =	shalt  }
0x7c: {  	_ =	shalt  }
0x7d: {  	_ =	shalt  }
0x7e: {  	_ =	shalt  }
0x7f: {  	_ =	shalt  }
0x80: {  	_ =	shalt  }
0x81: {  	_ =	shalt  }
0x82: {  	_ =	shalt  }
0x83: {  	_ =	shalt  }
0x84: {  	_ =	shalt  }
0x85: {  	_ =	shalt  }
0x86: {  	_ =	shalt  }
0x87: {  	_ =	shalt  }
.Lfunc_end0:
.L_simem_size_0:
called_computation_lowered:
.L_overlay_start_0:
0x88: {  	s2 =	sld [smem:$0x3FD9]  }
0x89: {  	s3 =	sld [smem:$0x3FFE];
	_ =	sdelay $0x1  }
0x8a: {  	s1 =	srdreg.scid  }
0x8b: {  	s0 =	sand.u32 $0x1, s1  }
0x8c: {  	s18 =	sshll.u32 s0, $0xA;
	s2 =	sadd.s32 s3, s2  }
0x8d: {  	s2 =	sadd.s32 s2, s18  }
0x8e: {  	[smem:$0x3FC7] =	sst s2  }
0x8f: {  	_ = 	snop  }
0x90: {  	s2 =	sld [smem:$0x3FC9]  }
0x91: {  	s19 =	sld [smem:$0x3FD0];
	(tm) =	ssettm $0x1  }
0x92: {  	s4 =	sld [smem:$0x3FFB];
	_ =	sdelay $0x3  }
0x93: {  	_ =	strace s4  }
0x94: {  	s4 =	sld [smem:$0x3FFC];
	_ =	sdelay $0x3  }
0x95: {  	_ =	strace s4  }
0x96: {  	s4 =	sld [smem:$0x3FFD];
	_ =	sdelay $0x3  }
0x97: {  	_ =	strace s4  }
0x98: {  	_ =	strace $0x8FFFFFFF  }
0x99: {  	s20 =	sld [smem:$0x3FDB];
	_ =	sdelay $0x1  }
0x9a: {  	s5 =	simm.s32 $_scs_section_size  }
0x9b: {  	s6 =	simm.s32 $_size__tile_overlayer_lowered;
	s7 =	simm.s32 $_tile_overlayer_lowered  }
0x9c: {  	s23 =	simm.s32 $0x1BFF;
	s22 =	sshll.u32 s7, $0x1;
	s4 =	sadd.s32 s5, s20  }
0x9d: {  	s8 =	simm.s32 $0x0;
	s21 =	sshll.u32 s6, $0x1;
	s6 =	sadd.s32 s22, s4  }
0x9e: {  	[timem:s8], [sflag:s23] =	dma.local [hbm:s6], s21  }
0x9f: {  	_ =	swait.ge [sflag:s23], s21  }
0xa0: {  	s5 =	ssub.s32 $0x0, s21;
	[sflag:s23] =	ssyncset.done $0x0  }
0xa1: {  	[sflag:s23] =	ssyncadd.s32 s5;
	_ =	sdelay $0x1  }
0xa2: {  	s24 =	simm.s32 $0x1B8B  }
0xa3: {  	_ =	swait.ge [sflag:s24], $0x1  }
0xa4: {  	[sflag:s24] =	ssyncset.done $0x0  }
0xa5: {  	s25 =	simm.s32 $0x1B8E;
	[sflag:s24] =	ssyncadd.s32 $0xFFFFFFFF  }
0xa6: {  	s26 =	simm.s32 $execute0_lowered;
	[smem:$0x3FD2] =	sst s25  }
0xa7: {  	s5 =	sshll.u32 s26, $0x1;
	_ =	strace $0x80000046;
	[dreg:$0x1] =	wrdreg $0xFFFFFFFF  }
0xa8: {  	s28 =	simm.s32 $_size_execute0_lowered;
	s4 =	sadd.s32 s4, s5;
	[dreg:$0x0] =	wrdreg $0x0  }
0xa9: {  	s5 =	sshll.u32 s28, $0x1;
	[dreg:$0x2] =	wrdreg s4  }
0xaa: {  	[dreg:$0x3] =	wrdreg s5  }
0xab: {  	[dreg:$0x4] =	wrdreg $0xC0  }
0xac: {  	_ =	task [dreg:s8], $0x5FFFF  }
0xad: {  	[dreg:$0x1] =	wrdreg $0xFFFFFFFF  }
0xae: {  	[dreg:$0x0] =	wrdreg $0x60  }
0xaf: {  	[dreg:$0x2] =	wrdreg s2  }
0xb0: {  	[dreg:$0x3] =	wrdreg s19  }
0xb1: {  	[dreg:$0x4] =	wrdreg $0x9  }
0xb2: {  	_ =	task.clear_ibuf [dreg:s8], $0x5FFFF;
	_ =	strace $0x90000046  }
0xb3: {  	s29 =	simm.s32 $0x9;
	_ =	strace $0x80000048  }
0xb4: {  	_ =	swait.ge [sflag:s29], $0x1  }
0xb5: {  	[sflag:s29] =	ssyncadd.s32 $0xFFFFFFFF  }
0xb6: {  	_ =	strace $0x90000048  }
0xb7: {  	_ =	sfence  }
0xb8: {  	s30 =	sld [smem:$0x0];
	_ =	sdelay $0x2  }
0xb9: {  	s31 =	sshll.u32 s1, $0xD;
	s1 =	sshrl.u32 s1, $0x2  }
0xba: {  	s3 =	sand.u32 $0x4000, s31;
	s1 =	sadd.s32 s1, s30  }
0xbb: {  	s0 =	sor.u32 s3, s0;
	s1 =	sshll.u32 s1, $0x11  }
0xbc: {  	s0 =	sor.u32 s1, s0  }
0xbd: {  	s0 =	sadd.s32 $0x8F2B, s0  }
0xbe: {  	[sflag:s0] =	ssyncadd.remote.s32 $0x1  }
0xbf: {  	_ =	sfence.sel $0xFFFF  }
0xc0: {  	[dreg:$0x0] =	wrdreg $0xFFFFFFFF;
	(pc) =	sbr.abs _section_cstart, $3  }
0xc1: {  	[dreg:$0x1] =	wrdreg $0xFFFFFFFF  }
0xc2: {  	_ =	task.clear_ibuf [dreg:s8], $0x2FFFF;
	_ =	strace $0x9FFFFFFF  }
0xc3: {  	(tm) =	ssettm $0x7FFFFFFF  }
tec
execute0_lowered:
.L_overlay_start_1:
0x0: {  	(tag) =	ssettag $0x1  }
0x1: {  	s5 =	rddreg [dreg:$0x0]  }
0x2: {  	s6 =	rddreg [dreg:$0x1];
	s1 =	simm.s32 $0x0;
	v0 =	vimm.s32 $0xFEDCBA98;
	v2 =	vimm.s32 $0x76543210;
	v3 =	vimm.s32 $0x32107654  }
0x3: {  	v1 =	vimm.f32 $4.000000000e+01;
	v4 =	vimm.s32 $0xDCFE98BA;
	v5 =	vimm.s32 $0x54761032;
	[smem:$0x7FF] =	sst s1  }
0x4: {  	s0 =	rddreg [dreg:$0x2];
	v6 =	vimm.s32 $0xEFCDAB89;
	v7 =	vimm.s32 $0x67452301;
	_ =	strace $0x80000047  }
0x5: {  	s2 =	srdreg.scid;
	v0 =	vunpack.c.l.s4.s8 v0;
	v3 =	vunpack.c.l.s4.s8 v3;
	(erf) = vrcp.f32 v1  }
0x6: {  	s11 =	simm.s32 $0x1000;
	s3 =	sand.u32 $0x1, s2;
	s2 =	stileid.u32;
	v4 =	vunpack.c.l.s4.s8 v4;
	v1 =	vunpack.c.l.s4.s8 v2;
	v2 =	vimm.s32 $0xBA98FEDC  }
0x7: {  	s12 =	simm.s32 $0x0;
	v5 =	vunpack.c.l.s4.s8 v5;
	v6 =	vunpack.c.l.s4.s8 v6;
	s4 =	ssub.s32 $0x2, s3;
	s8 =	sshll.u32 s2, $0x5;
	v2 =	vunpack.c.l.s4.s8 v2  }
0x8: {  	v7 =	vunpack.c.l.s4.s8 v7;
	s9 =	sshll.u32 s2, $0xA;
	s3 =	sshll.u32 s3, $0x4;
	p0 =	sgt.u32 s2, $0x7;
	v0 =	vunpack.c.0.s8.s32 v0;
	v3 =	vunpack.c.0.s8.s32 v3  }
0x9: {  	s7 =	sshrl.u32 s4, $0x1;
	s8 =	sand.u32 $0x60, s8;
	s10 =	sand.u32 $0x3000, s9;
	v4 =	vunpack.c.0.s8.s32 v4;
	v5 =	vunpack.c.0.s8.s32 v5;
	v2 =	vunpack.c.0.s8.s32 v2  }
.Ltmp0:
0xa: {  	s30 =	sand.u32 $0x1000, s9;
	v6 =	vunpack.c.0.s8.s32 v6;
	v7 =	vunpack.c.0.s8.s32 v7;
	s3 =	sor.u32 s3, s8;
	v1 =	vunpack.c.0.s8.s32 v1;
	(pc) =	sbr.rel .LBB2_1-.Ltmp0, $4  }
0xb: {  	s9 =	simm.s32 $0x400;
	s7 =	ssub.s32 s4, s7;
	s31 =	sor.u32 s10, s3;
	v2 =	vcombine.low v3, v2  }
0xc: {  	s8 =	sor.u32 s3, s30;
	s7 =	smax.u32 s7, $0x1;
	v0 =	vand.u32 $0xF, v0;
	s10 =	simm.s32 $0x1;
	v3 =	vcombine.low v5, v4;
	v4 =	vcombine.low v7, v6  }
0xd: {  	s3 =	sadd.s32 s5, s31;
	s4 =	sadd.s32 s6, s31;
	s8 =	sor.u32 $0x4000, s8;
	v0 =	vcombine.low v0, v1  }
0xe: {  	s5 =	sadd.s32 s5, s8;
	s6 =	sadd.s32 s6, s8;
	s8 =	simm.s32 $0x80;
	v2 =	vand.u32 $0xF, v2;
	v3 =	vand.u32 $0xF, v3;
	v4 =	vand.u32 $0xF, v4;
	v1 =	vpop (erf)  }
.LBB2_10:
0xf: {  	v5 =	vsub.f32 v7, v5;
	_ =	sdelay $0x1  }
0x10: {  	v5 =	vmul.f32 v5, v6;
	_ =	sdelay $0x1  }
0x11: {  	v5 =	vtrunc.f32 v5  }
0x12: {  	v5 =	vcvt.f32.s32 v5  }
0x13: {  	v6 =	vcvt.s32.f32 v8  }
0x14: {  	v5 =	vcvt.s32.f32 v5  }
0x15: {  	[tilespmem:s13+$0x1000] =	vst v6  }
0x16: {  	[tilespmem:s14+$0x1000] =	vst v5  }
0x17: {  	[hbm4b:s6+s8] =	stream.strided.scatter [tilespmem:s11], [sflag:$0x1], $0x1000, s9, s8, $0x38;
	[tilespmem:$0x2000] =	vst v63  }
0x18: {  	_ =	swait.ge [sflag:s10], $0x1000  }
0x19: {  	[sflag:s10] =	ssyncset.done $0x0  }
0x1a: {  	[sflag:s10] =	ssyncadd.s32 $0xFFFFF000  }
.LBB2_11:
0x1b: {  	s12 =	sadd.s32 $0x1, s12  }
0x1c: {  	p1 =	sne.s32 s12, s7  }
.Ltmp1:
0x1d: {  	_ = 	snop;
	(pc) =	sbr.rel @!p1 .LBB2_12-.Ltmp1, $1  }
0x1e: {  	_ =	sdelay $0x3  }
.LBB2_1:
0x1f: {  	[tilespmem:s1], [sflag:$0x1] =	stream.strided.gather [hbm4b:s3+s8], $0x1000, s9, s8, $0x38;
	[tilespmem:$0x2000] =	vst v63  }
0x20: {  	_ =	swait.ge [sflag:s10], $0x1000  }
0x21: {  	[sflag:s10] =	ssyncset.done $0x0  }
0x22: {  	s14 =	simm.s32 $0x0;
	[sflag:s10] =	ssyncadd.s32 $0xFFFFF000  }
0x23: {  	v5 =	vimm.f32 $+Inf;
	v6 =	vimm.f32 $-Inf;
	s13 =	simm.s32 $0x40;
	v7 =	vld [tilespmem:s14+$0x0]  }
.LBB2_2:
0x24: {  	p1 =	sne.s32 s13, $0x3FC0  }
.Ltmp2:
0x25: {  	_ = 	snop;
	(pc) =	sbr.rel @p1 .LBB2_2-.Ltmp2, $3  }
0x26: {  	_ =	sdelay $0x1  }
0x27: {  	s14 =	sshra.s32 s13, $0x2;
	s13 =	sadd.s32 $0x40, s13;
	v5 =	vmin.f32 v5, v7;
	v6 =	vmax.f32 v6, v7  }
0x28: {  	v7 =	vld [tilespmem:s14+$0x0]  }
0x29: {  	_ =	sdelay $0x3  }
0x2a: {  	v5 =	vmin.f32 v5, v7;
	v6 =	vmax.f32 v6, v7  }
0x2b: {  	v7 =	vperm.xlane v5, v0;
	v8 =	vperm.xlane v6, v0;
	_ =	sdelay $0x1  }
0x2c: {  	v5 =	vmin.f32 v5, v7;
	v6 =	vmax.f32 v6, v8  }
0x2d: {  	v7 =	vperm.xlane v5, v2;
	v8 =	vperm.xlane v6, v2;
	_ =	sdelay $0x1  }
0x2e: {  	v5 =	vmin.f32 v5, v7;
	v6 =	vmax.f32 v6, v8  }
0x2f: {  	v7 =	vperm.xlane v5, v3;
	v8 =	vperm.xlane v6, v3;
	_ =	sdelay $0x1  }
0x30: {  	v5 =	vmin.f32 v5, v7;
	v6 =	vmax.f32 v6, v8  }
0x31: {  	v7 =	vperm.xlane v5, v4;
	v8 =	vperm.xlane v6, v4;
	_ =	sdelay $0x1  }
0x32: {  	v5 =	vmin.f32 v5, v7;
	v6 =	vmax.f32 v6, v8  }
0x33: {  	v6 =	vsub.f32 v6, v5;
	_ =	sdelay $0x1  }
0x34: {  	v6 =	vmul.f32 v6, v1;
	_ =	sdelay $0x1  }
0x35: {  	(erf) = vrcp.f32 v6;
	_ =	sdelay $0x1  }
0x36: {  	s13 =	simm.s32 $0x0  }
0x37: {  	v6 =	vld [tilespmem:s13+$0x0];
	_ =	sdelay $0x4  }
0x38: {  	v7 =	vsub.f32 v6, v5  }
0x39: {  	v6 =	vpop (erf)  }
0x3a: {  	v7 =	vmul.f32 v7, v6  }
0x3b: {  	s14 =	simm.s32 $0x10  }
0x3c: {  	v8 =	vtrunc.f32 v7;
	v7 =	vld [tilespmem:s14+$0x0];
	_ =	sdelay $0x3  }
0x3d: {  	s15 =	simm.s32 $0x80;
	v8 =	vcvt.f32.s32 v8  }
.LBB2_4:
0x3e: {  	s16 =	sshra.s32 s15, $0x2;
	p1 =	sne.s32 s15, $0x3FC0;
	s15 =	sadd.s32 $0x40, s15;
	v9 =	vsub.f32 v7, v5  }
.Ltmp3:
0x3f: {  	v7 =	vld [tilespmem:s16+$0x0];
	v8 =	vcvt.s32.f32 v8;
	(pc) =	sbr.rel @p1 .LBB2_4-.Ltmp3, $4  }
0x40: {  	v9 =	vmul.f32 v9, v6  }
0x41: {  	[tilespmem:s13+$0x1000] =	vst v8;
	s13 =	smov.u32 s14;
	s14 =	smov.u32 s16  }
0x42: {  	v8 =	vtrunc.f32 v9  }
0x43: {  	v8 =	vcvt.f32.s32 v8  }
0x44: {  	v5 =	vsub.f32 v7, v5;
	_ =	sdelay $0x1  }
0x45: {  	v5 =	vmul.f32 v5, v6;
	_ =	sdelay $0x1  }
0x46: {  	v5 =	vtrunc.f32 v5  }
0x47: {  	v5 =	vcvt.f32.s32 v5  }
0x48: {  	v6 =	vcvt.s32.f32 v8  }
0x49: {  	v5 =	vcvt.s32.f32 v5  }
0x4a: {  	[tilespmem:s13+$0x1000] =	vst v6  }
.Ltmp4:
0x4b: {  	[tilespmem:s14+$0x1000] =	vst v5;
	(pc) =	sbr.rel @p0 .LBB2_11-.Ltmp4, $4  }
0x4c: {  	[hbm4b:s4+s8] =	stream.strided.scatter [tilespmem:s11], [sflag:$0x1], $0x1000, s9, s8, $0x38;
	[tilespmem:$0x2000] =	vst v63  }
0x4d: {  	_ =	swait.ge [sflag:s10], $0x1000  }
0x4e: {  	[sflag:s10] =	ssyncset.done $0x0  }
0x4f: {  	[sflag:s10] =	ssyncadd.s32 $0xFFFFF000  }
0x50: {  	s13 =	simm.s32 $0x0  }
0x51: {  	[tilespmem:s13], [sflag:$0x1] =	stream.strided.gather [hbm4b:s5+s8], $0x1000, s9, s8, $0x38;
	[tilespmem:$0x2000] =	vst v63  }
0x52: {  	_ =	swait.ge [sflag:s10], $0x1000  }
0x53: {  	[sflag:s10] =	ssyncset.done $0x0  }
0x54: {  	s14 =	simm.s32 $0x0;
	[sflag:s10] =	ssyncadd.s32 $0xFFFFF000  }
0x55: {  	v5 =	vimm.f32 $+Inf;
	v6 =	vimm.f32 $-Inf;
	s13 =	simm.s32 $0x40;
	v7 =	vld [tilespmem:s14+$0x0]  }
.LBB2_7:
0x56: {  	p1 =	sne.s32 s13, $0x3FC0  }
.Ltmp5:
0x57: {  	_ = 	snop;
	(pc) =	sbr.rel @p1 .LBB2_7-.Ltmp5, $3  }
0x58: {  	_ =	sdelay $0x1  }
0x59: {  	s14 =	sshra.s32 s13, $0x2;
	s13 =	sadd.s32 $0x40, s13;
	v5 =	vmin.f32 v5, v7;
	v6 =	vmax.f32 v6, v7  }
0x5a: {  	v7 =	vld [tilespmem:s14+$0x0]  }
0x5b: {  	_ =	sdelay $0x3  }
0x5c: {  	v5 =	vmin.f32 v5, v7;
	v6 =	vmax.f32 v6, v7  }
0x5d: {  	v7 =	vperm.xlane v5, v0;
	v8 =	vperm.xlane v6, v0;
	_ =	sdelay $0x1  }
0x5e: {  	v5 =	vmin.f32 v5, v7;
	v6 =	vmax.f32 v6, v8  }
0x5f: {  	v7 =	vperm.xlane v5, v2;
	v8 =	vperm.xlane v6, v2;
	_ =	sdelay $0x1  }
0x60: {  	v5 =	vmin.f32 v5, v7;
	v6 =	vmax.f32 v6, v8  }
0x61: {  	v7 =	vperm.xlane v5, v3;
	v8 =	vperm.xlane v6, v3;
	_ =	sdelay $0x1  }
0x62: {  	v5 =	vmin.f32 v5, v7;
	v6 =	vmax.f32 v6, v8  }
0x63: {  	v7 =	vperm.xlane v5, v4;
	v8 =	vperm.xlane v6, v4;
	_ =	sdelay $0x1  }
0x64: {  	v5 =	vmin.f32 v5, v7;
	v6 =	vmax.f32 v6, v8  }
0x65: {  	v6 =	vsub.f32 v6, v5;
	_ =	sdelay $0x1  }
0x66: {  	v6 =	vmul.f32 v6, v1;
	_ =	sdelay $0x1  }
0x67: {  	(erf) = vrcp.f32 v6;
	_ =	sdelay $0x1  }
0x68: {  	s13 =	simm.s32 $0x0  }
0x69: {  	v6 =	vld [tilespmem:s13+$0x0];
	_ =	sdelay $0x4  }
0x6a: {  	v7 =	vsub.f32 v6, v5  }
0x6b: {  	v6 =	vpop (erf)  }
0x6c: {  	v7 =	vmul.f32 v7, v6  }
0x6d: {  	s14 =	simm.s32 $0x10  }
0x6e: {  	v8 =	vtrunc.f32 v7;
	v7 =	vld [tilespmem:s14+$0x0];
	_ =	sdelay $0x3  }
0x6f: {  	s15 =	simm.s32 $0x80;
	v8 =	vcvt.f32.s32 v8  }
.LBB2_9:
0x70: {  	s16 =	sshra.s32 s15, $0x2;
	p1 =	sne.s32 s15, $0x3FC0;
	s15 =	sadd.s32 $0x40, s15;
	v9 =	vsub.f32 v7, v5  }
.Ltmp6:
0x71: {  	v8 =	vcvt.s32.f32 v8;
	v7 =	vld [tilespmem:s16+$0x0];
	(pc) =	sbr.rel @p1 .LBB2_9-.Ltmp6, $4  }
0x72: {  	v9 =	vmul.f32 v9, v6  }
0x73: {  	[tilespmem:s13+$0x1000] =	vst v8;
	s13 =	smov.u32 s14;
	s14 =	smov.u32 s16  }
0x74: {  	v8 =	vtrunc.f32 v9  }
0x75: {  	v8 =	vcvt.f32.s32 v8  }
.Ltmp7:
0x76: {  	_ = 	snop;
	(pc) =	sbr.rel .LBB2_10-.Ltmp7, $1  }
0x77: {  	_ =	sdelay $0x3  }
.LBB2_12:
0x78: {  	_ =	sfence.sel $0x180000  }
0x79: {  	[bflag:$0x0] =	sbarrier.arrive $0xFFFF  }
0x7a: {  	p0 =	sne.s32 s2, $0x0;
	_ =	strace $0x90000047  }
0x7b: {  	s0 =	sadd.s32 @!p0 $0x100000, s0;
	[bflag:$0x2] =	sbarrier.arrive $0xFFFF  }
0x7c: {  	[sflag:s0] =	ssyncadd.tile.s32 @!p0 $0x1;
	_ =	shalt  }
.Lfunc_end2:
_tile_overlayer_lowered:
.L_overlay_start_2:
0x7d: {  	(tag) =	ssettag $0x2  }
0x7e: {  	s0 =	rddreg [dreg:$0x0];
	s2 =	stileid.u32  }
0x7f: {  	s1 =	rddreg [dreg:$0x1];
	p0 =	sne.s32 s2, $0x0  }
0x80: {  	s3 =	rddreg [dreg:$0x2];
	[bflag:$0x3] =	sbarrier.arrive $0xFFFF;
	s2 =	simm.s32 @!p0 $0x1C01  }
0x81: {  	[timem:s3], [sflag:s2] =	dma.local @!p0 [hbm:s0], s1  }
0x82: {  	s0 =	simm.s32 @!p0 $0x1  }
0x83: {  	_ =	swait.ge @!p0 [sflag:s0], s1  }
0x84: {  	s1 =	ssub.s32 @!p0 $0x0, s1;
	[sflag:s0] =	ssyncset.done @!p0 $0x0  }
0x85: {  	[sflag:s0] =	ssyncadd.s32 @!p0 s1  }
0x86: {  	[bflag:$0x3] =	sbarrier.arrive $0xFFFF  }
0x87: {  	_ =	shalt  }

</sc_bundles>
